<compile_context>
chip_gen: v7x
topology: tpu7x:2x2x1
jax: 0.10.2.dev20260603
libtpu: 0.0.44.dev20260713+nightly
codegen_flags: <defaults>
</compile_context>

<pallas_src>
import functools

import jax
import jax.numpy as jnp
from jax import lax
from jax.experimental import pallas as pl
from jax.experimental.pallas import tpu as pltpu
from jax.experimental.pallas import tpu_sc as plsc

N = 2048
_SB = 256
_FB = 256
_EPS = 1e-8
_BIG = 2**30

_NIDX = 3 * N
_NW = 32
_CHUNK = 96
_CPW = _NIDX // (_NW * _CHUNK)


@functools.partial(
    pl.kernel,
    mesh=plsc.VectorSubcoreMesh(core_axis_name="c", subcore_axis_name="s"),
    out_type=jax.ShapeDtypeStruct((_NIDX, 128), jnp.float32),
    scratch_types=[
        pltpu.VMEM((_CPW, _CHUNK), jnp.int32),
        pltpu.VMEM((_CPW * _CHUNK, 128), jnp.float32),
        pltpu.SemaphoreType.DMA,
    ],
)
def _sc_gather(table_hbm, idx_hbm, out_hbm, idx_v, rows_v, sem):
    wid = lax.axis_index("s") * 2 + lax.axis_index("c")
    pltpu.sync_copy(idx_hbm.at[pl.ds(wid * _CPW, _CPW)], idx_v)
    copies = [
        pltpu.async_copy(table_hbm.at[idx_v.at[j]],
                         rows_v.at[pl.ds(j * _CHUNK, _CHUNK)], sem)
        for j in range(_CPW)
    ]
    for c in copies:
        c.wait()
    pltpu.sync_copy(rows_v,
                    out_hbm.at[pl.ds(wid * _CPW * _CHUNK, _CPW * _CHUNK)])


def _nn_body(obj_t_ref, sr_ref, nt_ref, cmap_ref):
    ox = obj_t_ref[0:1, :]
    oy = obj_t_ref[1:2, :]
    oz = obj_t_ref[2:3, :]
    iota_s = lax.broadcasted_iota(jnp.int32, (_SB, N), 0)

    def nn_step(b, carry):
        m, idx = carry
        base = b * _SB
        sx = sr_ref[pl.ds(base, _SB), 0:1]
        sy = sr_ref[pl.ds(base, _SB), 1:2]
        sz = sr_ref[pl.ds(base, _SB), 2:3]
        ddx = ox - sx
        ddy = oy - sy
        ddz = oz - sz
        d2 = ddx * ddx + ddy * ddy + ddz * ddz
        bmin = jnp.min(d2, axis=0, keepdims=True)
        barg = jnp.min(jnp.where(d2 == bmin, iota_s, _BIG), axis=0,
                       keepdims=True) + base
        take = bmin < m
        return jnp.where(take, bmin, m), jnp.where(take, barg, idx)

    m0 = jnp.full((1, N), jnp.inf, jnp.float32)
    i0 = jnp.zeros((1, N), jnp.int32)
    nn_d, nn_idx = lax.fori_loop(0, N // _SB, nn_step, (m0, i0))

    cmap_ref[0:1, :] = 1.0 - 2.0 * (jax.nn.sigmoid(100.0 * nn_d) - 0.5)

    def trg_step(b, carry):
        tx, ty, tz = carry
        base = b * _SB
        sel = iota_s == (nn_idx - base)
        sx = sr_ref[pl.ds(base, _SB), 0:1]
        sy = sr_ref[pl.ds(base, _SB), 1:2]
        sz = sr_ref[pl.ds(base, _SB), 2:3]
        tx = tx + jnp.sum(jnp.where(sel, sx, 0.0), axis=0, keepdims=True)
        ty = ty + jnp.sum(jnp.where(sel, sy, 0.0), axis=0, keepdims=True)
        tz = tz + jnp.sum(jnp.where(sel, sz, 0.0), axis=0, keepdims=True)
        return tx, ty, tz

    z0 = jnp.zeros((1, N), jnp.float32)
    tx, ty, tz = lax.fori_loop(0, N // _SB, trg_step, (z0, z0, z0))

    nt_ref[0:1, :] = nn_d
    nt_ref[1:2, :] = tx
    nt_ref[2:3, :] = ty
    nt_ref[3:4, :] = tz


def _isect_body(obj_t_ref, nt_ref, fv_ref, normals_ref, pen_ref):
    ox = obj_t_ref[0:1, :]
    oy = obj_t_ref[1:2, :]
    oz = obj_t_ref[2:3, :]
    nn_d = nt_ref[0:1, :]
    dxr = nt_ref[1:2, :] - ox
    dyr = nt_ref[2:3, :] - oy
    dzr = nt_ref[3:4, :] - oz

    def face_step(b, counts):
        base = b * _FB
        v0x = fv_ref[pl.ds(base, _FB), 0:1]
        v0y = fv_ref[pl.ds(base, _FB), 1:2]
        v0z = fv_ref[pl.ds(base, _FB), 2:3]
        v1x = fv_ref[pl.ds(N + base, _FB), 0:1]
        v1y = fv_ref[pl.ds(N + base, _FB), 1:2]
        v1z = fv_ref[pl.ds(N + base, _FB), 2:3]
        v2x = fv_ref[pl.ds(2 * N + base, _FB), 0:1]
        v2y = fv_ref[pl.ds(2 * N + base, _FB), 1:2]
        v2z = fv_ref[pl.ds(2 * N + base, _FB), 2:3]
        nx = normals_ref[pl.ds(base, _FB), 0:1]
        ny = normals_ref[pl.ds(base, _FB), 1:2]
        nz = normals_ref[pl.ds(base, _FB), 2:3]

        denom = nx * dxr + ny * dyr + nz * dzr
        valid = jnp.abs(denom) > _EPS
        safe_denom = jnp.where(valid, denom, 1.0)
        t = (nx * (v0x - ox) + ny * (v0y - oy) + nz * (v0z - oz)) / safe_denom
        px = ox + t * dxr
        py = oy + t * dyr
        pz = oz + t * dzr
        wx = px - v0x
        wy = py - v0y
        wz = pz - v0z
        e0x = v1x - v0x
        e0y = v1y - v0y
        e0z = v1z - v0z
        e1x = v2x - v0x
        e1y = v2y - v0y
        e1z = v2z - v0z
        dot00 = e0x * e0x + e0y * e0y + e0z * e0z
        dot01 = e0x * e1x + e0y * e1y + e0z * e1z
        dot11 = e1x * e1x + e1y * e1y + e1z * e1z
        dot0w = e0x * wx + e0y * wy + e0z * wz
        dot1w = e1x * wx + e1y * wy + e1z * wz
        den = dot00 * dot11 - dot01 * dot01
        rcp = 1.0 / jnp.where(jnp.abs(den) > _EPS, den, 1.0)
        u = (dot11 * dot0w - dot01 * dot1w) * rcp
        v = (dot00 * dot1w - dot01 * dot0w) * rcp
        inside = (u >= -_EPS) & (v >= -_EPS) & (u + v <= 1.0 + _EPS)
        hit = valid & (t > _EPS) & inside
        return counts + jnp.sum(hit.astype(jnp.int32), axis=0, keepdims=True)

    counts = lax.fori_loop(0, N // _FB, face_step,
                           jnp.zeros((1, N), jnp.int32))

    interior = (counts % 2) != 0
    pen2 = jnp.sum(jnp.where(interior, nn_d, 0.0), axis=1, keepdims=True)
    pen_ref[0:1, 0:1] = jnp.sqrt(pen2)


def kernel(obj_points, sr_points, hand_verts, hand_faces, face_normals):
    obj_t = obj_points.T
    faces_idx = hand_faces.astype(jnp.int32).T.reshape(_NW * _CPW, _CHUNK)
    verts_pad = jnp.pad(hand_verts, ((0, 0), (0, 125)))
    fv = _sc_gather(verts_pad, faces_idx)
    nt, cmap = pl.pallas_call(
        _nn_body,
        out_shape=[
            jax.ShapeDtypeStruct((4, N), jnp.float32),
            jax.ShapeDtypeStruct((1, N), jnp.float32),
        ],
    )(obj_t, sr_points)
    pen, = pl.pallas_call(
        _isect_body,
        out_shape=[jax.ShapeDtypeStruct((1, 1), jnp.float32)],
    )(obj_t, nt, fv, face_normals)
    return pen[0, 0], cmap[0]

# --- scband reference (transcript-rebuilt; emitter-appended) ---
"""Pipeline reference for scband-sr-loss-84327387890351 (READ-ONLY COPY).

The authoritative reference and input builder live on the scoring server;
editing this copy changes nothing except your own understanding.
"""

import jax, jax.numpy as jnp
import numpy as np

N_OBJ = 2048
N_SRC = 2048
N_VERTS = 2048
N_FACES = 2048


def setup_inputs(seed: int = 0) -> dict:
    key = jax.random.key(seed)
    k1, k2, k3, k4, k5 = jax.random.split(key, 5)
    obj_points = jax.random.normal(k1, (N_OBJ, 3), dtype=jnp.float32)
    sr_points = 0.5 * jax.random.normal(k2, (N_SRC, 3), dtype=jnp.float32)
    hand_verts = 0.5 * jax.random.normal(k3, (N_VERTS, 3), dtype=jnp.float32)
    hand_faces = jax.random.randint(k4, (N_FACES, 3), 0, N_VERTS, dtype=jnp.int64)
    fn = jax.random.normal(k5, (N_FACES, 3), dtype=jnp.float32)
    face_normals = fn / (jnp.linalg.norm(fn, axis=-1, keepdims=True) + 1e-8)
    return {"obj_points": obj_points, "sr_points": sr_points, "hand_verts": hand_verts,
            "hand_faces": hand_faces, "face_normals": face_normals}


def get_NN(src_xyz, trg_xyz):
    # squared euclidean distance [N_src, N_trg]
    d2 = jnp.sum((src_xyz[:, None, :] - trg_xyz[None, :, :]) ** 2, axis=-1)
    nn_dists = jnp.min(d2, axis=-1)
    nn_idx = jnp.argmin(d2, axis=-1)
    return nn_dists, nn_idx


def check_ray_triangle_intersection(ray_origins, ray_direction, faces_verts, face_normals, eps=1e-8):
    # ray_origins, ray_direction: [N,3]; faces_verts: [F,3,3]; face_normals: [F,3]
    v0 = faces_verts[:, 0, :]  # [F,3]
    v1 = faces_verts[:, 1, :]
    v2 = faces_verts[:, 2, :]
    o = ray_origins[None, :, :]          # [1,N,3]
    d = ray_direction[None, :, :]        # [1,N,3]
    n = face_normals[:, None, :]         # [F,1,3]
    denom = jnp.sum(n * d, axis=-1)      # [F,N]
    valid = jnp.abs(denom) > eps
    safe_denom = jnp.where(valid, denom, 1.0)
    t = jnp.sum(n * (v0[:, None, :] - o), axis=-1) / safe_denom   # [F,N]
    p = o + t[..., None] * d             # [F,N,3] hit point on plane
    e0 = v1 - v0                          # [F,3]
    e1 = v2 - v0
    w = p - v0[:, None, :]                # [F,N,3]
    dot00 = jnp.sum(e0 * e0, axis=-1)[:, None]   # [F,1]
    dot01 = jnp.sum(e0 * e1, axis=-1)[:, None]
    dot11 = jnp.sum(e1 * e1, axis=-1)[:, None]
    dot0w = jnp.sum(e0[:, None, :] * w, axis=-1)  # [F,N]
    dot1w = jnp.sum(e1[:, None, :] * w, axis=-1)
    den = dot00 * dot11 - dot01 * dot01           # [F,1]
    safe_den = jnp.where(jnp.abs(den) > eps, den, 1.0)
    u = (dot11 * dot0w - dot01 * dot1w) / safe_den
    v = (dot00 * dot1w - dot01 * dot0w) / safe_den
    inside = (u >= -eps) & (v >= -eps) & (u + v <= 1.0 + eps)
    return valid & (t > eps) & inside  # bool [F,N]


def contact_map_of_m_to_n(obj_points, sr_points):
    d2 = jnp.sum((obj_points[:, None, :] - sr_points[None, :, :]) ** 2, axis=-1)
    nn_dists = jnp.min(d2, axis=-1)
    return 1.0 - 2.0 * (jax.nn.sigmoid(100.0 * nn_dists) - 0.5)


def reference(obj_points, sr_points, hand_verts, hand_faces, face_normals):
    nn_dists, nn_idx = get_NN(src_xyz=obj_points, trg_xyz=sr_points)
    trg_pts = jnp.take(sr_points, nn_idx, axis=0)           # batched_index_select
    faces_verts = jnp.take(hand_verts, hand_faces, axis=0)  # [F,3,3]
    intersection = check_ray_triangle_intersection(
        ray_origins=obj_points, ray_direction=trg_pts - obj_points,
        faces_verts=faces_verts, face_normals=face_normals)
    hit_number = jnp.sum(intersection.astype(jnp.int32), axis=0)  # [N]
    interior_mask = (hit_number % 2) != 0
    diff = trg_pts - obj_points
    masked = jnp.where(interior_mask[:, None], diff, 0.0)
    pen_dist = jnp.linalg.norm(masked)  # == torch.norm over selected rows
    cmap = contact_map_of_m_to_n(obj_points, sr_points)
    return pen_dist, cmap

if __name__ == "__main__":
    import jax
    _d = setup_inputs()
    print(jax.jit(kernel)(*tuple(_d.values())))

</pallas_src>

<mosaic_0001>
#map = affine_map<(d0, d1) -> (0, 0)>
module attributes {stable_mosaic.version = 14 : i64} {
  func.func @_sc_gather(%arg0: i32, %arg1: i32, %arg2: memref<2048x128xf32, #tpu.memory_space<hbm>>, %arg3: memref<64x96xi32, #tpu.memory_space<hbm>>, %arg4: memref<6144x128xf32, #tpu.memory_space<hbm>>, %arg5: memref<2x96xi32, #tpu.memory_space<vmem>>, %arg6: memref<192x128xf32, #tpu.memory_space<vmem>>, %arg7: memref<!tpu.dma_semaphore, #tpu.memory_space<semaphore_mem>>) attributes {dimension_semantics = [#tpu.dimension_semantics<core_parallel>, #tpu.dimension_semantics<subcore_parallel>], iteration_bounds = array<i64: 2, 16>, scalar_prefetch = 0 : i64, scratch_operands = 3 : i64, tpu.core_type = #tpu.core_type<sc_vector_subcore>, window_params = [{transform_indices = #map}, {transform_indices = #map}, {transform_indices = #map}]} {
    %mul3A = arith.constant 2 : i32
    %mul3A_0 = arith.muli %arg1, %mul3A : i32
    %add3A = arith.addi %mul3A_0, %arg0 : i32
    %mul3A_1 = arith.constant 2 : i32
    %mul3A_2 = arith.muli %add3A, %mul3A_1 : i32
    "tpu.region"() ({
      %run_scoped3A = tpu.sem_alloc : memref<!tpu.dma_semaphore, #tpu.memory_space<semaphore_mem>>
      %dma_start3A_45 = arith.constant 0 : i32
      %dma_start3A_46 = tpu.memref_slice %arg3[%mul3A_2, %dma_start3A_45] : memref<64x96xi32, #tpu.memory_space<hbm>> -> memref<2x96xi32, #tpu.memory_space<hbm>>
      %dma_start3A_47 = arith.constant 0 : i32
      %dma_start3A_48 = tpu.memref_slice %arg3[%mul3A_2, %dma_start3A_47] : memref<64x96xi32, #tpu.memory_space<hbm>> -> memref<2x96xi32, #tpu.memory_space<hbm>>
      tpu.enqueue_dma source(%dma_start3A_48 : memref<2x96xi32, #tpu.memory_space<hbm>>) target(%arg5 : memref<2x96xi32, #tpu.memory_space<vmem>>) target_semaphore(%run_scoped3A : memref<!tpu.dma_semaphore, #tpu.memory_space<semaphore_mem>>)
      %dma_wait3A_49 = arith.constant 0 : i32
      %dma_wait3A_50 = tpu.memref_slice %arg3[%mul3A_2, %dma_wait3A_49] : memref<64x96xi32, #tpu.memory_space<hbm>> -> memref<2x96xi32, #tpu.memory_space<hbm>>
      %dma_wait3A_51 = arith.constant 0 : i32
      %dma_wait3A_52 = tpu.memref_slice %arg3[%mul3A_2, %dma_wait3A_51] : memref<64x96xi32, #tpu.memory_space<hbm>> -> memref<2x96xi32, #tpu.memory_space<hbm>>
      tpu.wait_dma2 semaphore(%run_scoped3A : memref<!tpu.dma_semaphore, #tpu.memory_space<semaphore_mem>>) src(%dma_wait3A_52 : memref<2x96xi32, #tpu.memory_space<hbm>>) dst(%arg5 : memref<2x96xi32, #tpu.memory_space<vmem>>)
      tpu.yield
    }) : () -> ()
    %dma_start3A = arith.constant 0 : i32
    %dma_start3A_3 = arith.constant 0 : i32
    %dma_start3A_4 = arith.constant 0 : i32
    %dma_start3A_5 = tpu.memref_slice %arg6[%dma_start3A_3, %dma_start3A_4] : memref<192x128xf32, #tpu.memory_space<vmem>> -> memref<96x128xf32, #tpu.memory_space<vmem>>
    %dma_start3A_6 = arith.constant 0 : i32
    %dma_start3A_7 = tpu.memref_slice %arg5[%dma_start3A, %dma_start3A_6] : memref<2x96xi32, #tpu.memory_space<vmem>> -> memref<1x96xi32, #tpu.memory_space<vmem>>
    %dma_start3A_8 = tpu.memref_squeeze %dma_start3A_7 : memref<1x96xi32, #tpu.memory_space<vmem>> -> memref<96xi32, #tpu.memory_space<vmem>>
    %dma_start3A_9 = arith.constant 0 : i32
    %dma_start3A_10 = arith.constant 0 : i32
    %dma_start3A_11 = tpu.memref_slice %arg2[%dma_start3A_9, %dma_start3A_10] : memref<2048x128xf32, #tpu.memory_space<hbm>> -> memref<2048x128xf32, #tpu.memory_space<hbm>>
    tpu.enqueue_indirect_dma source(%dma_start3A_11 : memref<2048x128xf32, #tpu.memory_space<hbm>>) target(%dma_start3A_5 : memref<96x128xf32, #tpu.memory_space<vmem>>) offsets(%dma_start3A_8 : memref<96xi32, #tpu.memory_space<vmem>>) semaphore(%arg7 : memref<!tpu.dma_semaphore, #tpu.memory_space<semaphore_mem>>)
    %dma_start3A_12 = arith.constant 1 : i32
    %dma_start3A_13 = arith.constant 96 : i32
    %dma_start3A_14 = arith.constant 0 : i32
    %dma_start3A_15 = tpu.memref_slice %arg6[%dma_start3A_13, %dma_start3A_14] : memref<192x128xf32, #tpu.memory_space<vmem>> -> memref<96x128xf32, #tpu.memory_space<vmem>>
    %dma_start3A_16 = arith.constant 0 : i32
    %dma_start3A_17 = tpu.memref_slice %arg5[%dma_start3A_12, %dma_start3A_16] : memref<2x96xi32, #tpu.memory_space<vmem>> -> memref<1x96xi32, #tpu.memory_space<vmem>>
    %dma_start3A_18 = tpu.memref_squeeze %dma_start3A_17 : memref<1x96xi32, #tpu.memory_space<vmem>> -> memref<96xi32, #tpu.memory_space<vmem>>
    %dma_start3A_19 = arith.constant 0 : i32
    %dma_start3A_20 = arith.constant 0 : i32
    %dma_start3A_21 = tpu.memref_slice %arg2[%dma_start3A_19, %dma_start3A_20] : memref<2048x128xf32, #tpu.memory_space<hbm>> -> memref<2048x128xf32, #tpu.memory_space<hbm>>
    tpu.enqueue_indirect_dma source(%dma_start3A_21 : memref<2048x128xf32, #tpu.memory_space<hbm>>) target(%dma_start3A_15 : memref<96x128xf32, #tpu.memory_space<vmem>>) offsets(%dma_start3A_18 : memref<96xi32, #tpu.memory_space<vmem>>) semaphore(%arg7 : memref<!tpu.dma_semaphore, #tpu.memory_space<semaphore_mem>>)
    %dma_wait3A = arith.constant 0 : i32
    %dma_wait3A_22 = arith.constant 0 : i32
    %dma_wait3A_23 = arith.constant 0 : i32
    %dma_wait3A_24 = tpu.memref_slice %arg6[%dma_wait3A_22, %dma_wait3A_23] : memref<192x128xf32, #tpu.memory_space<vmem>> -> memref<96x128xf32, #tpu.memory_space<vmem>>
    %dma_wait3A_25 = arith.constant 0 : i32
    %dma_wait3A_26 = tpu.memref_slice %arg5[%dma_wait3A, %dma_wait3A_25] : memref<2x96xi32, #tpu.memory_space<vmem>> -> memref<1x96xi32, #tpu.memory_space<vmem>>
    %dma_wait3A_27 = tpu.memref_squeeze %dma_wait3A_26 : memref<1x96xi32, #tpu.memory_space<vmem>> -> memref<96xi32, #tpu.memory_space<vmem>>
    %dma_wait3A_28 = arith.constant 0 : i32
    %dma_wait3A_29 = arith.constant 0 : i32
    %dma_wait3A_30 = tpu.memref_slice %arg2[%dma_wait3A_28, %dma_wait3A_29] : memref<2048x128xf32, #tpu.memory_space<hbm>> -> memref<2048x128xf32, #tpu.memory_space<hbm>>
    tpu.wait_indirect_dma semaphore(%arg7 : memref<!tpu.dma_semaphore, #tpu.memory_space<semaphore_mem>>) src(%dma_wait3A_30 : memref<2048x128xf32, #tpu.memory_space<hbm>>) dst(%dma_wait3A_24 : memref<96x128xf32, #tpu.memory_space<vmem>>)
    %dma_wait3A_31 = arith.constant 1 : i32
    %dma_wait3A_32 = arith.constant 96 : i32
    %dma_wait3A_33 = arith.constant 0 : i32
    %dma_wait3A_34 = tpu.memref_slice %arg6[%dma_wait3A_32, %dma_wait3A_33] : memref<192x128xf32, #tpu.memory_space<vmem>> -> memref<96x128xf32, #tpu.memory_space<vmem>>
    %dma_wait3A_35 = arith.constant 0 : i32
    %dma_wait3A_36 = tpu.memref_slice %arg5[%dma_wait3A_31, %dma_wait3A_35] : memref<2x96xi32, #tpu.memory_space<vmem>> -> memref<1x96xi32, #tpu.memory_space<vmem>>
    %dma_wait3A_37 = tpu.memref_squeeze %dma_wait3A_36 : memref<1x96xi32, #tpu.memory_space<vmem>> -> memref<96xi32, #tpu.memory_space<vmem>>
    %dma_wait3A_38 = arith.constant 0 : i32
    %dma_wait3A_39 = arith.constant 0 : i32
    %dma_wait3A_40 = tpu.memref_slice %arg2[%dma_wait3A_38, %dma_wait3A_39] : memref<2048x128xf32, #tpu.memory_space<hbm>> -> memref<2048x128xf32, #tpu.memory_space<hbm>>
    tpu.wait_indirect_dma semaphore(%arg7 : memref<!tpu.dma_semaphore, #tpu.memory_space<semaphore_mem>>) src(%dma_wait3A_40 : memref<2048x128xf32, #tpu.memory_space<hbm>>) dst(%dma_wait3A_34 : memref<96x128xf32, #tpu.memory_space<vmem>>)
    %mul3A_41 = arith.constant 2 : i32
    %mul3A_42 = arith.muli %add3A, %mul3A_41 : i32
    %mul3A_43 = arith.constant 96 : i32
    %mul3A_44 = arith.muli %mul3A_42, %mul3A_43 : i32
    "tpu.region"() ({
      %run_scoped3A = tpu.sem_alloc : memref<!tpu.dma_semaphore, #tpu.memory_space<semaphore_mem>>
      %dma_start3A_45 = arith.constant 0 : i32
      %dma_start3A_46 = tpu.memref_slice %arg4[%mul3A_44, %dma_start3A_45] : memref<6144x128xf32, #tpu.memory_space<hbm>> -> memref<192x128xf32, #tpu.memory_space<hbm>>
      %dma_start3A_47 = arith.constant 0 : i32
      %dma_start3A_48 = tpu.memref_slice %arg4[%mul3A_44, %dma_start3A_47] : memref<6144x128xf32, #tpu.memory_space<hbm>> -> memref<192x128xf32, #tpu.memory_space<hbm>>
      tpu.enqueue_dma source(%arg6 : memref<192x128xf32, #tpu.memory_space<vmem>>) target(%dma_start3A_48 : memref<192x128xf32, #tpu.memory_space<hbm>>) target_semaphore(%run_scoped3A : memref<!tpu.dma_semaphore, #tpu.memory_space<semaphore_mem>>)
      %dma_wait3A_49 = arith.constant 0 : i32
      %dma_wait3A_50 = tpu.memref_slice %arg4[%mul3A_44, %dma_wait3A_49] : memref<6144x128xf32, #tpu.memory_space<hbm>> -> memref<192x128xf32, #tpu.memory_space<hbm>>
      %dma_wait3A_51 = arith.constant 0 : i32
      %dma_wait3A_52 = tpu.memref_slice %arg4[%mul3A_44, %dma_wait3A_51] : memref<6144x128xf32, #tpu.memory_space<hbm>> -> memref<192x128xf32, #tpu.memory_space<hbm>>
      tpu.wait_dma2 semaphore(%run_scoped3A : memref<!tpu.dma_semaphore, #tpu.memory_space<semaphore_mem>>) src(%arg6 : memref<192x128xf32, #tpu.memory_space<vmem>>) dst(%dma_wait3A_52 : memref<192x128xf32, #tpu.memory_space<hbm>>)
      tpu.yield
    }) : () -> ()
    return
  }
}

module attributes {stable_mosaic.version = 14 : i64} {
  func.func @_nn_body(%arg0: memref<3x2048xf32, #tpu.memory_space<vmem>>, %arg1: memref<2048x3xf32, #tpu.memory_space<vmem>>, %arg2: memref<4x2048xf32, #tpu.memory_space<vmem>>, %arg3: memref<1x2048xf32, #tpu.memory_space<vmem>>) attributes {dimension_semantics = [], scalar_prefetch = 0 : i64, scratch_operands = 0 : i64, tpu.core_type = #tpu.core_type<tc>} {
    %get3A = arith.constant 0 : index
    %get3A_0 = arith.constant 0 : index
    %get3A_1 = vector.load %arg0[%get3A, %get3A_0] : memref<3x2048xf32, #tpu.memory_space<vmem>>, vector<1x2048xf32>
    %get3A_2 = arith.constant 1 : index
    %get3A_3 = arith.constant 0 : index
    %get3A_4 = vector.load %arg0[%get3A_2, %get3A_3] : memref<3x2048xf32, #tpu.memory_space<vmem>>, vector<1x2048xf32>
    %get3A_5 = arith.constant 2 : index
    %get3A_6 = arith.constant 0 : index
    %get3A_7 = vector.load %arg0[%get3A_5, %get3A_6] : memref<3x2048xf32, #tpu.memory_space<vmem>>, vector<1x2048xf32>
    %iota3A = tpu.iota {dimensions = array<i32: 0>} : vector<256x2048xi32>
    %broadcast_in_dim3A = arith.constant 0x7F800000 : f32
    %broadcast_in_dim3A_8 = vector.broadcast %broadcast_in_dim3A : f32 to vector<1x2048xf32>
    %broadcast_in_dim3A_9 = arith.constant 0 : i32
    %broadcast_in_dim3A_10 = vector.broadcast %broadcast_in_dim3A_9 : i32 to vector<1x2048xi32>
    %scan3A = arith.constant 0 : i32
    %scan3A_11 = arith.constant 8 : i32
    %scan3A_12 = arith.addi %scan3A, %scan3A_11 : i32
    %scan3A_13 = arith.constant 1 : i32
    %scan3A_14:2 = scf.for %scan3A_53 = %scan3A to %scan3A_12 step %scan3A_13 iter_args(%scan3A_54 = %broadcast_in_dim3A_8, %scan3A_55 = %broadcast_in_dim3A_10) -> (vector<1x2048xf32>, vector<1x2048xi32>)  : i32 {
      %mul3A_56 = arith.constant 256 : i32
      %mul3A_57 = arith.muli %scan3A_53, %mul3A_56 : i32
      %get3A_58 = arith.index_cast %mul3A_57 : i32 to index
      %get3A_59 = arith.constant 0 : index
      %get3A_60 = vector.load %arg1[%get3A_58, %get3A_59] : memref<2048x3xf32, #tpu.memory_space<vmem>>, vector<256x1xf32>
      %get3A_61 = arith.index_cast %mul3A_57 : i32 to index
      %get3A_62 = arith.constant 1 : index
      %get3A_63 = vector.load %arg1[%get3A_61, %get3A_62] : memref<2048x3xf32, #tpu.memory_space<vmem>>, vector<256x1xf32>
      %get3A_64 = arith.index_cast %mul3A_57 : i32 to index
      %get3A_65 = arith.constant 2 : index
      %get3A_66 = vector.load %arg1[%get3A_64, %get3A_65] : memref<2048x3xf32, #tpu.memory_space<vmem>>, vector<256x1xf32>
      %sub3A_67 = vector.broadcast %get3A_1 : vector<1x2048xf32> to vector<256x2048xf32>
      %sub3A_68 = vector.broadcast %get3A_60 : vector<256x1xf32> to vector<256x2048xf32>
      %sub3A_69 = arith.subf %sub3A_67, %sub3A_68 : vector<256x2048xf32>
      %sub3A_70 = vector.broadcast %get3A_4 : vector<1x2048xf32> to vector<256x2048xf32>
      %sub3A_71 = vector.broadcast %get3A_63 : vector<256x1xf32> to vector<256x2048xf32>
      %sub3A_72 = arith.subf %sub3A_70, %sub3A_71 : vector<256x2048xf32>
      %sub3A_73 = vector.broadcast %get3A_7 : vector<1x2048xf32> to vector<256x2048xf32>
      %sub3A_74 = vector.broadcast %get3A_66 : vector<256x1xf32> to vector<256x2048xf32>
      %sub3A_75 = arith.subf %sub3A_73, %sub3A_74 : vector<256x2048xf32>
      %mul3A_76 = arith.mulf %sub3A_69, %sub3A_69 : vector<256x2048xf32>
      %mul3A_77 = arith.mulf %sub3A_72, %sub3A_72 : vector<256x2048xf32>
      %add3A = arith.addf %mul3A_76, %mul3A_77 : vector<256x2048xf32>
      %mul3A_78 = arith.mulf %sub3A_75, %sub3A_75 : vector<256x2048xf32>
      %add3A_79 = arith.addf %add3A, %mul3A_78 : vector<256x2048xf32>
      %reduce_min3A = arith.constant dense<0x7F800000> : vector<2048xf32>
      %reduce_min3A_80 = vector.multi_reduction <minimumf>, %add3A_79, %reduce_min3A [0] : vector<256x2048xf32> to vector<2048xf32>
      %broadcast_in_dim3A_81 = vector.shape_cast %reduce_min3A_80 : vector<2048xf32> to vector<1x2048xf32>
      %eq3A = vector.broadcast %broadcast_in_dim3A_81 : vector<1x2048xf32> to vector<256x2048xf32>
      %eq3A_82 = arith.cmpf oeq, %add3A_79, %eq3A : vector<256x2048xf32>
      %jit3A = arith.constant 1073741824 : i32
      %broadcast_in_dim3A_83 = vector.broadcast %jit3A : i32 to vector<256x2048xi32>
      %select_n3A = arith.select %eq3A_82, %iota3A, %broadcast_in_dim3A_83 : vector<256x2048xi1>, vector<256x2048xi32>
      %reduce_min3A_84 = arith.constant dense<2147483647> : vector<2048xi32>
      %reduce_min3A_85 = vector.multi_reduction <minsi>, %select_n3A, %reduce_min3A_84 [0] : vector<256x2048xi32> to vector<2048xi32>
      %broadcast_in_dim3A_86 = vector.shape_cast %reduce_min3A_85 : vector<2048xi32> to vector<1x2048xi32>
      %add3A_87 = vector.broadcast %mul3A_57 : i32 to vector<1x2048xi32>
      %add3A_88 = arith.addi %broadcast_in_dim3A_86, %add3A_87 : vector<1x2048xi32>
      %lt3A = arith.cmpf olt, %broadcast_in_dim3A_81, %scan3A_54 : vector<1x2048xf32>
      %select_n3A_89 = arith.select %lt3A, %broadcast_in_dim3A_81, %scan3A_54 : vector<1x2048xi1>, vector<1x2048xf32>
      %select_n3A_90 = arith.select %lt3A, %add3A_88, %scan3A_55 : vector<1x2048xi1>, vector<1x2048xi32>
      scf.yield %select_n3A_89, %select_n3A_90 : vector<1x2048xf32>, vector<1x2048xi32>
    }
    %scan3A_15 = arith.constant 8 : i32
    %mul3A = arith.constant 1.000000e+02 : f32
    %mul3A_16 = vector.broadcast %mul3A : f32 to vector<1x2048xf32>
    %mul3A_17 = arith.mulf %mul3A_16, %scan3A_14#0 : vector<1x2048xf32>
    %logistic3A = arith.negf %mul3A_17 : vector<1x2048xf32>
    %logistic3A_18 = math.exp %logistic3A : vector<1x2048xf32>
    %logistic3A_19 = arith.constant 1.000000e+00 : f32
    %logistic3A_20 = vector.broadcast %logistic3A_19 : f32 to vector<1x2048xf32>
    %logistic3A_21 = arith.addf %logistic3A_20, %logistic3A_18 : vector<1x2048xf32>
    %logistic3A_22 = arith.divf %logistic3A_20, %logistic3A_21 : vector<1x2048xf32>
    %sub3A = arith.constant 5.000000e-01 : f32
    %sub3A_23 = vector.broadcast %sub3A : f32 to vector<1x2048xf32>
    %sub3A_24 = arith.subf %logistic3A_22, %sub3A_23 : vector<1x2048xf32>
    %mul3A_25 = arith.constant 2.000000e+00 : f32
    %mul3A_26 = vector.broadcast %mul3A_25 : f32 to vector<1x2048xf32>
    %mul3A_27 = arith.mulf %mul3A_26, %sub3A_24 : vector<1x2048xf32>
    %sub3A_28 = arith.constant 1.000000e+00 : f32
    %sub3A_29 = vector.broadcast %sub3A_28 : f32 to vector<1x2048xf32>
    %sub3A_30 = arith.subf %sub3A_29, %mul3A_27 : vector<1x2048xf32>
    %swap3A = arith.constant 0 : index
    %swap3A_31 = arith.constant 0 : index
    %swap3A_32 = vector.load %arg3[%swap3A, %swap3A_31] : memref<1x2048xf32, #tpu.memory_space<vmem>>, vector<1x2048xf32>
    tpu.vector_store %arg3[%swap3A, %swap3A_31], %sub3A_30 {strides = array<i32>} : memref<1x2048xf32, #tpu.memory_space<vmem>>, vector<1x2048xf32>,
    %broadcast_in_dim3A_33 = arith.constant 0.000000e+00 : f32
    %broadcast_in_dim3A_34 = vector.broadcast %broadcast_in_dim3A_33 : f32 to vector<1x2048xf32>
    %scan3A_35 = arith.constant 0 : i32
    %scan3A_36 = arith.constant 8 : i32
    %scan3A_37 = arith.addi %scan3A_35, %scan3A_36 : i32
    %scan3A_38 = arith.constant 1 : i32
    %scan3A_39:3 = scf.for %scan3A_53 = %scan3A_35 to %scan3A_37 step %scan3A_38 iter_args(%scan3A_54 = %broadcast_in_dim3A_34, %scan3A_55 = %broadcast_in_dim3A_34, %scan3A_56 = %broadcast_in_dim3A_34) -> (vector<1x2048xf32>, vector<1x2048xf32>, vector<1x2048xf32>)  : i32 {
      %mul3A_57 = arith.constant 256 : i32
      %mul3A_58 = arith.muli %scan3A_53, %mul3A_57 : i32
      %sub3A_59 = vector.broadcast %mul3A_58 : i32 to vector<1x2048xi32>
      %sub3A_60 = arith.subi %scan3A_14#1, %sub3A_59 : vector<1x2048xi32>
      %eq3A = vector.broadcast %sub3A_60 : vector<1x2048xi32> to vector<256x2048xi32>
      %eq3A_61 = arith.cmpi eq, %iota3A, %eq3A : vector<256x2048xi32>
      %get3A_62 = arith.index_cast %mul3A_58 : i32 to index
      %get3A_63 = arith.constant 0 : index
      %get3A_64 = vector.load %arg1[%get3A_62, %get3A_63] : memref<2048x3xf32, #tpu.memory_space<vmem>>, vector<256x1xf32>
      %get3A_65 = arith.index_cast %mul3A_58 : i32 to index
      %get3A_66 = arith.constant 1 : index
      %get3A_67 = vector.load %arg1[%get3A_65, %get3A_66] : memref<2048x3xf32, #tpu.memory_space<vmem>>, vector<256x1xf32>
      %get3A_68 = arith.index_cast %mul3A_58 : i32 to index
      %get3A_69 = arith.constant 2 : index
      %get3A_70 = vector.load %arg1[%get3A_68, %get3A_69] : memref<2048x3xf32, #tpu.memory_space<vmem>>, vector<256x1xf32>
      %jit3A = arith.constant 0.000000e+00 : f32
      %broadcast_in_dim3A_71 = vector.shape_cast %get3A_64 : vector<256x1xf32> to vector<256x1xf32>
      %broadcast_in_dim3A_72 = vector.broadcast %broadcast_in_dim3A_71 : vector<256x1xf32> to vector<256x2048xf32>
      %broadcast_in_dim3A_73 = vector.broadcast %jit3A : f32 to vector<256x2048xf32>
      %select_n3A = arith.select %eq3A_61, %broadcast_in_dim3A_72, %broadcast_in_dim3A_73 : vector<256x2048xi1>, vector<256x2048xf32>
      %reduce_sum3A = arith.constant dense<0.000000e+00> : vector<2048xf32>
      %reduce_sum3A_74 = vector.multi_reduction <add>, %select_n3A, %reduce_sum3A [0] : vector<256x2048xf32> to vector<2048xf32>
      %broadcast_in_dim3A_75 = vector.shape_cast %reduce_sum3A_74 : vector<2048xf32> to vector<1x2048xf32>
      %add3A = arith.addf %scan3A_54, %broadcast_in_dim3A_75 : vector<1x2048xf32>
      %jit3A_76 = arith.constant 0.000000e+00 : f32
      %broadcast_in_dim3A_77 = vector.shape_cast %get3A_67 : vector<256x1xf32> to vector<256x1xf32>
      %broadcast_in_dim3A_78 = vector.broadcast %broadcast_in_dim3A_77 : vector<256x1xf32> to vector<256x2048xf32>
      %broadcast_in_dim3A_79 = vector.broadcast %jit3A_76 : f32 to vector<256x2048xf32>
      %select_n3A_80 = arith.select %eq3A_61, %broadcast_in_dim3A_78, %broadcast_in_dim3A_79 : vector<256x2048xi1>, vector<256x2048xf32>
      %reduce_sum3A_81 = arith.constant dense<0.000000e+00> : vector<2048xf32>
      %reduce_sum3A_82 = vector.multi_reduction <add>, %select_n3A_80, %reduce_sum3A_81 [0] : vector<256x2048xf32> to vector<2048xf32>
      %broadcast_in_dim3A_83 = vector.shape_cast %reduce_sum3A_82 : vector<2048xf32> to vector<1x2048xf32>
      %add3A_84 = arith.addf %scan3A_55, %broadcast_in_dim3A_83 : vector<1x2048xf32>
      %jit3A_85 = arith.constant 0.000000e+00 : f32
      %broadcast_in_dim3A_86 = vector.shape_cast %get3A_70 : vector<256x1xf32> to vector<256x1xf32>
      %broadcast_in_dim3A_87 = vector.broadcast %broadcast_in_dim3A_86 : vector<256x1xf32> to vector<256x2048xf32>
      %broadcast_in_dim3A_88 = vector.broadcast %jit3A_85 : f32 to vector<256x2048xf32>
      %select_n3A_89 = arith.select %eq3A_61, %broadcast_in_dim3A_87, %broadcast_in_dim3A_88 : vector<256x2048xi1>, vector<256x2048xf32>
      %reduce_sum3A_90 = arith.constant dense<0.000000e+00> : vector<2048xf32>
      %reduce_sum3A_91 = vector.multi_reduction <add>, %select_n3A_89, %reduce_sum3A_90 [0] : vector<256x2048xf32> to vector<2048xf32>
      %broadcast_in_dim3A_92 = vector.shape_cast %reduce_sum3A_91 : vector<2048xf32> to vector<1x2048xf32>
      %add3A_93 = arith.addf %scan3A_56, %broadcast_in_dim3A_92 : vector<1x2048xf32>
      scf.yield %add3A, %add3A_84, %add3A_93 : vector<1x2048xf32>, vector<1x2048xf32>, vector<1x2048xf32>
    }
    %scan3A_40 = arith.constant 8 : i32
    %swap3A_41 = arith.constant 0 : index
    %swap3A_42 = arith.constant 0 : index
    %swap3A_43 = vector.load %arg2[%swap3A_41, %swap3A_42] : memref<4x2048xf32, #tpu.memory_space<vmem>>, vector<1x2048xf32>
    tpu.vector_store %arg2[%swap3A_41, %swap3A_42], %scan3A_14#0 {strides = array<i32>} : memref<4x2048xf32, #tpu.memory_space<vmem>>, vector<1x2048xf32>,
    %swap3A_44 = arith.constant 1 : index
    %swap3A_45 = arith.constant 0 : index
    %swap3A_46 = vector.load %arg2[%swap3A_44, %swap3A_45] : memref<4x2048xf32, #tpu.memory_space<vmem>>, vector<1x2048xf32>
    tpu.vector_store %arg2[%swap3A_44, %swap3A_45], %scan3A_39#0 {strides = array<i32>} : memref<4x2048xf32, #tpu.memory_space<vmem>>, vector<1x2048xf32>,
    %swap3A_47 = arith.constant 2 : index
    %swap3A_48 = arith.constant 0 : index
    %swap3A_49 = vector.load %arg2[%swap3A_47, %swap3A_48] : memref<4x2048xf32, #tpu.memory_space<vmem>>, vector<1x2048xf32>
    tpu.vector_store %arg2[%swap3A_47, %swap3A_48], %scan3A_39#1 {strides = array<i32>} : memref<4x2048xf32, #tpu.memory_space<vmem>>, vector<1x2048xf32>,
    %swap3A_50 = arith.constant 3 : index
    %swap3A_51 = arith.constant 0 : index
    %swap3A_52 = vector.load %arg2[%swap3A_50, %swap3A_51] : memref<4x2048xf32, #tpu.memory_space<vmem>>, vector<1x2048xf32>
    tpu.vector_store %arg2[%swap3A_50, %swap3A_51], %scan3A_39#2 {strides = array<i32>} : memref<4x2048xf32, #tpu.memory_space<vmem>>, vector<1x2048xf32>,
    return
  }
}

module attributes {stable_mosaic.version = 14 : i64} {
  func.func @_isect_body(%arg0: memref<3x2048xf32, #tpu.memory_space<vmem>>, %arg1: memref<4x2048xf32, #tpu.memory_space<vmem>>, %arg2: memref<6144x128xf32, #tpu.memory_space<vmem>>, %arg3: memref<2048x3xf32, #tpu.memory_space<vmem>>, %arg4: memref<1x1xf32, #tpu.memory_space<vmem>>) attributes {dimension_semantics = [], scalar_prefetch = 0 : i64, scratch_operands = 0 : i64, tpu.core_type = #tpu.core_type<tc>} {
    %get3A = arith.constant 0 : index
    %get3A_0 = arith.constant 0 : index
    %get3A_1 = vector.load %arg0[%get3A, %get3A_0] : memref<3x2048xf32, #tpu.memory_space<vmem>>, vector<1x2048xf32>
    %get3A_2 = arith.constant 1 : index
    %get3A_3 = arith.constant 0 : index
    %get3A_4 = vector.load %arg0[%get3A_2, %get3A_3] : memref<3x2048xf32, #tpu.memory_space<vmem>>, vector<1x2048xf32>
    %get3A_5 = arith.constant 2 : index
    %get3A_6 = arith.constant 0 : index
    %get3A_7 = vector.load %arg0[%get3A_5, %get3A_6] : memref<3x2048xf32, #tpu.memory_space<vmem>>, vector<1x2048xf32>
    %get3A_8 = arith.constant 0 : index
    %get3A_9 = arith.constant 0 : index
    %get3A_10 = vector.load %arg1[%get3A_8, %get3A_9] : memref<4x2048xf32, #tpu.memory_space<vmem>>, vector<1x2048xf32>
    %get3A_11 = arith.constant 1 : index
    %get3A_12 = arith.constant 0 : index
    %get3A_13 = vector.load %arg1[%get3A_11, %get3A_12] : memref<4x2048xf32, #tpu.memory_space<vmem>>, vector<1x2048xf32>
    %sub3A = arith.subf %get3A_13, %get3A_1 : vector<1x2048xf32>
    %get3A_14 = arith.constant 2 : index
    %get3A_15 = arith.constant 0 : index
    %get3A_16 = vector.load %arg1[%get3A_14, %get3A_15] : memref<4x2048xf32, #tpu.memory_space<vmem>>, vector<1x2048xf32>
    %sub3A_17 = arith.subf %get3A_16, %get3A_4 : vector<1x2048xf32>
    %get3A_18 = arith.constant 3 : index
    %get3A_19 = arith.constant 0 : index
    %get3A_20 = vector.load %arg1[%get3A_18, %get3A_19] : memref<4x2048xf32, #tpu.memory_space<vmem>>, vector<1x2048xf32>
    %sub3A_21 = arith.subf %get3A_20, %get3A_7 : vector<1x2048xf32>
    %broadcast_in_dim3A = arith.constant 0 : i32
    %broadcast_in_dim3A_22 = vector.broadcast %broadcast_in_dim3A : i32 to vector<1x2048xi32>
    %scan3A = arith.constant 0 : i32
    %scan3A_23 = arith.constant 8 : i32
    %scan3A_24 = arith.addi %scan3A, %scan3A_23 : i32
    %scan3A_25 = arith.constant 1 : i32
    %scan3A_26 = scf.for %scan3A_52 = %scan3A to %scan3A_24 step %scan3A_25 iter_args(%scan3A_53 = %broadcast_in_dim3A_22) -> (vector<1x2048xi32>)  : i32 {
      %mul3A = arith.constant 256 : i32
      %mul3A_54 = arith.muli %scan3A_52, %mul3A : i32
      %get3A_55 = arith.index_cast %mul3A_54 : i32 to index
      %get3A_56 = arith.constant 0 : index
      %get3A_57 = vector.load %arg2[%get3A_55, %get3A_56] : memref<6144x128xf32, #tpu.memory_space<vmem>>, vector<256x1xf32>
      %get3A_58 = arith.index_cast %mul3A_54 : i32 to index
      %get3A_59 = arith.constant 1 : index
      %get3A_60 = vector.load %arg2[%get3A_58, %get3A_59] : memref<6144x128xf32, #tpu.memory_space<vmem>>, vector<256x1xf32>
      %get3A_61 = arith.index_cast %mul3A_54 : i32 to index
      %get3A_62 = arith.constant 2 : index
      %get3A_63 = vector.load %arg2[%get3A_61, %get3A_62] : memref<6144x128xf32, #tpu.memory_space<vmem>>, vector<256x1xf32>
      %add3A_64 = arith.constant 2048 : i32
      %add3A_65 = arith.addi %add3A_64, %mul3A_54 : i32
      %get3A_66 = arith.index_cast %add3A_65 : i32 to index
      %get3A_67 = arith.constant 0 : index
      %get3A_68 = vector.load %arg2[%get3A_66, %get3A_67] : memref<6144x128xf32, #tpu.memory_space<vmem>>, vector<256x1xf32>
      %add3A_69 = arith.constant 2048 : i32
      %add3A_70 = arith.addi %add3A_69, %mul3A_54 : i32
      %get3A_71 = arith.index_cast %add3A_70 : i32 to index
      %get3A_72 = arith.constant 1 : index
      %get3A_73 = vector.load %arg2[%get3A_71, %get3A_72] : memref<6144x128xf32, #tpu.memory_space<vmem>>, vector<256x1xf32>
      %add3A_74 = arith.constant 2048 : i32
      %add3A_75 = arith.addi %add3A_74, %mul3A_54 : i32
      %get3A_76 = arith.index_cast %add3A_75 : i32 to index
      %get3A_77 = arith.constant 2 : index
      %get3A_78 = vector.load %arg2[%get3A_76, %get3A_77] : memref<6144x128xf32, #tpu.memory_space<vmem>>, vector<256x1xf32>
      %add3A_79 = arith.constant 4096 : i32
      %add3A_80 = arith.addi %add3A_79, %mul3A_54 : i32
      %get3A_81 = arith.index_cast %add3A_80 : i32 to index
      %get3A_82 = arith.constant 0 : index
      %get3A_83 = vector.load %arg2[%get3A_81, %get3A_82] : memref<6144x128xf32, #tpu.memory_space<vmem>>, vector<256x1xf32>
      %add3A_84 = arith.constant 4096 : i32
      %add3A_85 = arith.addi %add3A_84, %mul3A_54 : i32
      %get3A_86 = arith.index_cast %add3A_85 : i32 to index
      %get3A_87 = arith.constant 1 : index
      %get3A_88 = vector.load %arg2[%get3A_86, %get3A_87] : memref<6144x128xf32, #tpu.memory_space<vmem>>, vector<256x1xf32>
      %add3A_89 = arith.constant 4096 : i32
      %add3A_90 = arith.addi %add3A_89, %mul3A_54 : i32
      %get3A_91 = arith.index_cast %add3A_90 : i32 to index
      %get3A_92 = arith.constant 2 : index
      %get3A_93 = vector.load %arg2[%get3A_91, %get3A_92] : memref<6144x128xf32, #tpu.memory_space<vmem>>, vector<256x1xf32>
      %get3A_94 = arith.index_cast %mul3A_54 : i32 to index
      %get3A_95 = arith.constant 0 : index
      %get3A_96 = vector.load %arg3[%get3A_94, %get3A_95] : memref<2048x3xf32, #tpu.memory_space<vmem>>, vector<256x1xf32>
      %get3A_97 = arith.index_cast %mul3A_54 : i32 to index
      %get3A_98 = arith.constant 1 : index
      %get3A_99 = vector.load %arg3[%get3A_97, %get3A_98] : memref<2048x3xf32, #tpu.memory_space<vmem>>, vector<256x1xf32>
      %get3A_100 = arith.index_cast %mul3A_54 : i32 to index
      %get3A_101 = arith.constant 2 : index
      %get3A_102 = vector.load %arg3[%get3A_100, %get3A_101] : memref<2048x3xf32, #tpu.memory_space<vmem>>, vector<256x1xf32>
      %mul3A_103 = vector.broadcast %get3A_96 : vector<256x1xf32> to vector<256x2048xf32>
      %mul3A_104 = vector.broadcast %sub3A : vector<1x2048xf32> to vector<256x2048xf32>
      %mul3A_105 = arith.mulf %mul3A_103, %mul3A_104 : vector<256x2048xf32>
      %mul3A_106 = vector.broadcast %get3A_99 : vector<256x1xf32> to vector<256x2048xf32>
      %mul3A_107 = vector.broadcast %sub3A_17 : vector<1x2048xf32> to vector<256x2048xf32>
      %mul3A_108 = arith.mulf %mul3A_106, %mul3A_107 : vector<256x2048xf32>
      %add3A_109 = arith.addf %mul3A_105, %mul3A_108 : vector<256x2048xf32>
      %mul3A_110 = vector.broadcast %get3A_102 : vector<256x1xf32> to vector<256x2048xf32>
      %mul3A_111 = vector.broadcast %sub3A_21 : vector<1x2048xf32> to vector<256x2048xf32>
      %mul3A_112 = arith.mulf %mul3A_110, %mul3A_111 : vector<256x2048xf32>
      %add3A_113 = arith.addf %add3A_109, %mul3A_112 : vector<256x2048xf32>
      %abs3A = math.absf %add3A_113 : vector<256x2048xf32>
      %gt3A = arith.constant 9.99999993E-9 : f32
      %gt3A_114 = vector.broadcast %gt3A : f32 to vector<256x2048xf32>
      %gt3A_115 = arith.cmpf ogt, %abs3A, %gt3A_114 : vector<256x2048xf32>
      %jit3A_116 = arith.constant 1.000000e+00 : f32
      %broadcast_in_dim3A_117 = vector.broadcast %jit3A_116 : f32 to vector<256x2048xf32>
      %select_n3A_118 = arith.select %gt3A_115, %add3A_113, %broadcast_in_dim3A_117 : vector<256x2048xi1>, vector<256x2048xf32>
      %sub3A_119 = vector.broadcast %get3A_57 : vector<256x1xf32> to vector<256x2048xf32>
      %sub3A_120 = vector.broadcast %get3A_1 : vector<1x2048xf32> to vector<256x2048xf32>
      %sub3A_121 = arith.subf %sub3A_119, %sub3A_120 : vector<256x2048xf32>
      %mul3A_122 = vector.broadcast %get3A_96 : vector<256x1xf32> to vector<256x2048xf32>
      %mul3A_123 = arith.mulf %mul3A_122, %sub3A_121 : vector<256x2048xf32>
      %sub3A_124 = vector.broadcast %get3A_60 : vector<256x1xf32> to vector<256x2048xf32>
      %sub3A_125 = vector.broadcast %get3A_4 : vector<1x2048xf32> to vector<256x2048xf32>
      %sub3A_126 = arith.subf %sub3A_124, %sub3A_125 : vector<256x2048xf32>
      %mul3A_127 = vector.broadcast %get3A_99 : vector<256x1xf32> to vector<256x2048xf32>
      %mul3A_128 = arith.mulf %mul3A_127, %sub3A_126 : vector<256x2048xf32>
      %add3A_129 = arith.addf %mul3A_123, %mul3A_128 : vector<256x2048xf32>
      %sub3A_130 = vector.broadcast %get3A_63 : vector<256x1xf32> to vector<256x2048xf32>
      %sub3A_131 = vector.broadcast %get3A_7 : vector<1x2048xf32> to vector<256x2048xf32>
      %sub3A_132 = arith.subf %sub3A_130, %sub3A_131 : vector<256x2048xf32>
      %mul3A_133 = vector.broadcast %get3A_102 : vector<256x1xf32> to vector<256x2048xf32>
      %mul3A_134 = arith.mulf %mul3A_133, %sub3A_132 : vector<256x2048xf32>
      %add3A_135 = arith.addf %add3A_129, %mul3A_134 : vector<256x2048xf32>
      %div3A = arith.divf %add3A_135, %select_n3A_118 : vector<256x2048xf32>
      %mul3A_136 = vector.broadcast %sub3A : vector<1x2048xf32> to vector<256x2048xf32>
      %mul3A_137 = arith.mulf %div3A, %mul3A_136 : vector<256x2048xf32>
      %add3A_138 = vector.broadcast %get3A_1 : vector<1x2048xf32> to vector<256x2048xf32>
      %add3A_139 = arith.addf %add3A_138, %mul3A_137 : vector<256x2048xf32>
      %mul3A_140 = vector.broadcast %sub3A_17 : vector<1x2048xf32> to vector<256x2048xf32>
      %mul3A_141 = arith.mulf %div3A, %mul3A_140 : vector<256x2048xf32>
      %add3A_142 = vector.broadcast %get3A_4 : vector<1x2048xf32> to vector<256x2048xf32>
      %add3A_143 = arith.addf %add3A_142, %mul3A_141 : vector<256x2048xf32>
      %mul3A_144 = vector.broadcast %sub3A_21 : vector<1x2048xf32> to vector<256x2048xf32>
      %mul3A_145 = arith.mulf %div3A, %mul3A_144 : vector<256x2048xf32>
      %add3A_146 = vector.broadcast %get3A_7 : vector<1x2048xf32> to vector<256x2048xf32>
      %add3A_147 = arith.addf %add3A_146, %mul3A_145 : vector<256x2048xf32>
      %sub3A_148 = vector.broadcast %get3A_57 : vector<256x1xf32> to vector<256x2048xf32>
      %sub3A_149 = arith.subf %add3A_139, %sub3A_148 : vector<256x2048xf32>
      %sub3A_150 = vector.broadcast %get3A_60 : vector<256x1xf32> to vector<256x2048xf32>
      %sub3A_151 = arith.subf %add3A_143, %sub3A_150 : vector<256x2048xf32>
      %sub3A_152 = vector.broadcast %get3A_63 : vector<256x1xf32> to vector<256x2048xf32>
      %sub3A_153 = arith.subf %add3A_147, %sub3A_152 : vector<256x2048xf32>
      %sub3A_154 = arith.subf %get3A_68, %get3A_57 : vector<256x1xf32>
      %sub3A_155 = arith.subf %get3A_73, %get3A_60 : vector<256x1xf32>
      %sub3A_156 = arith.subf %get3A_78, %get3A_63 : vector<256x1xf32>
      %sub3A_157 = arith.subf %get3A_83, %get3A_57 : vector<256x1xf32>
      %sub3A_158 = arith.subf %get3A_88, %get3A_60 : vector<256x1xf32>
      %sub3A_159 = arith.subf %get3A_93, %get3A_63 : vector<256x1xf32>
      %mul3A_160 = arith.mulf %sub3A_154, %sub3A_154 : vector<256x1xf32>
      %mul3A_161 = arith.mulf %sub3A_155, %sub3A_155 : vector<256x1xf32>
      %add3A_162 = arith.addf %mul3A_160, %mul3A_161 : vector<256x1xf32>
      %mul3A_163 = arith.mulf %sub3A_156, %sub3A_156 : vector<256x1xf32>
      %add3A_164 = arith.addf %add3A_162, %mul3A_163 : vector<256x1xf32>
      %mul3A_165 = arith.mulf %sub3A_154, %sub3A_157 : vector<256x1xf32>
      %mul3A_166 = arith.mulf %sub3A_155, %sub3A_158 : vector<256x1xf32>
      %add3A_167 = arith.addf %mul3A_165, %mul3A_166 : vector<256x1xf32>
      %mul3A_168 = arith.mulf %sub3A_156, %sub3A_159 : vector<256x1xf32>
      %add3A_169 = arith.addf %add3A_167, %mul3A_168 : vector<256x1xf32>
      %mul3A_170 = arith.mulf %sub3A_157, %sub3A_157 : vector<256x1xf32>
      %mul3A_171 = arith.mulf %sub3A_158, %sub3A_158 : vector<256x1xf32>
      %add3A_172 = arith.addf %mul3A_170, %mul3A_171 : vector<256x1xf32>
      %mul3A_173 = arith.mulf %sub3A_159, %sub3A_159 : vector<256x1xf32>
      %add3A_174 = arith.addf %add3A_172, %mul3A_173 : vector<256x1xf32>
      %mul3A_175 = vector.broadcast %sub3A_154 : vector<256x1xf32> to vector<256x2048xf32>
      %mul3A_176 = arith.mulf %mul3A_175, %sub3A_149 : vector<256x2048xf32>
      %mul3A_177 = vector.broadcast %sub3A_155 : vector<256x1xf32> to vector<256x2048xf32>
      %mul3A_178 = arith.mulf %mul3A_177, %sub3A_151 : vector<256x2048xf32>
      %add3A_179 = arith.addf %mul3A_176, %mul3A_178 : vector<256x2048xf32>
      %mul3A_180 = vector.broadcast %sub3A_156 : vector<256x1xf32> to vector<256x2048xf32>
      %mul3A_181 = arith.mulf %mul3A_180, %sub3A_153 : vector<256x2048xf32>
      %add3A_182 = arith.addf %add3A_179, %mul3A_181 : vector<256x2048xf32>
      %mul3A_183 = vector.broadcast %sub3A_157 : vector<256x1xf32> to vector<256x2048xf32>
      %mul3A_184 = arith.mulf %mul3A_183, %sub3A_149 : vector<256x2048xf32>
      %mul3A_185 = vector.broadcast %sub3A_158 : vector<256x1xf32> to vector<256x2048xf32>
      %mul3A_186 = arith.mulf %mul3A_185, %sub3A_151 : vector<256x2048xf32>
      %add3A_187 = arith.addf %mul3A_184, %mul3A_186 : vector<256x2048xf32>
      %mul3A_188 = vector.broadcast %sub3A_159 : vector<256x1xf32> to vector<256x2048xf32>
      %mul3A_189 = arith.mulf %mul3A_188, %sub3A_153 : vector<256x2048xf32>
      %add3A_190 = arith.addf %add3A_187, %mul3A_189 : vector<256x2048xf32>
      %mul3A_191 = arith.mulf %add3A_164, %add3A_174 : vector<256x1xf32>
      %mul3A_192 = arith.mulf %add3A_169, %add3A_169 : vector<256x1xf32>
      %sub3A_193 = arith.subf %mul3A_191, %mul3A_192 : vector<256x1xf32>
      %abs3A_194 = math.absf %sub3A_193 : vector<256x1xf32>
      %gt3A_195 = arith.constant 9.99999993E-9 : f32
      %gt3A_196 = vector.broadcast %gt3A_195 : f32 to vector<256x1xf32>
      %gt3A_197 = arith.cmpf ogt, %abs3A_194, %gt3A_196 : vector<256x1xf32>
      %jit3A_198 = arith.constant 1.000000e+00 : f32
      %broadcast_in_dim3A_199 = vector.broadcast %jit3A_198 : f32 to vector<256x1xf32>
      %select_n3A_200 = arith.select %gt3A_197, %sub3A_193, %broadcast_in_dim3A_199 : vector<256x1xi1>, vector<256x1xf32>
      %div3A_201 = arith.constant 1.000000e+00 : f32
      %div3A_202 = vector.broadcast %div3A_201 : f32 to vector<256x1xf32>
      %div3A_203 = arith.divf %div3A_202, %select_n3A_200 : vector<256x1xf32>
      %mul3A_204 = vector.broadcast %add3A_174 : vector<256x1xf32> to vector<256x2048xf32>
      %mul3A_205 = arith.mulf %mul3A_204, %add3A_182 : vector<256x2048xf32>
      %mul3A_206 = vector.broadcast %add3A_169 : vector<256x1xf32> to vector<256x2048xf32>
      %mul3A_207 = arith.mulf %mul3A_206, %add3A_190 : vector<256x2048xf32>
      %sub3A_208 = arith.subf %mul3A_205, %mul3A_207 : vector<256x2048xf32>
      %mul3A_209 = vector.broadcast %div3A_203 : vector<256x1xf32> to vector<256x2048xf32>
      %mul3A_210 = arith.mulf %sub3A_208, %mul3A_209 : vector<256x2048xf32>
      %mul3A_211 = vector.broadcast %add3A_164 : vector<256x1xf32> to vector<256x2048xf32>
      %mul3A_212 = arith.mulf %mul3A_211, %add3A_190 : vector<256x2048xf32>
      %mul3A_213 = vector.broadcast %add3A_169 : vector<256x1xf32> to vector<256x2048xf32>
      %mul3A_214 = arith.mulf %mul3A_213, %add3A_182 : vector<256x2048xf32>
      %sub3A_215 = arith.subf %mul3A_212, %mul3A_214 : vector<256x2048xf32>
      %mul3A_216 = vector.broadcast %div3A_203 : vector<256x1xf32> to vector<256x2048xf32>
      %mul3A_217 = arith.mulf %sub3A_215, %mul3A_216 : vector<256x2048xf32>
      %ge3A = arith.constant -9.99999993E-9 : f32
      %ge3A_218 = vector.broadcast %ge3A : f32 to vector<256x2048xf32>
      %ge3A_219 = arith.cmpf oge, %mul3A_210, %ge3A_218 : vector<256x2048xf32>
      %ge3A_220 = arith.constant -9.99999993E-9 : f32
      %ge3A_221 = vector.broadcast %ge3A_220 : f32 to vector<256x2048xf32>
      %ge3A_222 = arith.cmpf oge, %mul3A_217, %ge3A_221 : vector<256x2048xf32>
      %and3A_223 = arith.andi %ge3A_219, %ge3A_222 : vector<256x2048xi1>
      %add3A_224 = arith.addf %mul3A_210, %mul3A_217 : vector<256x2048xf32>
      %le3A = arith.constant 1.000000e+00 : f32
      %le3A_225 = vector.broadcast %le3A : f32 to vector<256x2048xf32>
      %le3A_226 = arith.cmpf ole, %add3A_224, %le3A_225 : vector<256x2048xf32>
      %and3A_227 = arith.andi %and3A_223, %le3A_226 : vector<256x2048xi1>
      %gt3A_228 = arith.constant 9.99999993E-9 : f32
      %gt3A_229 = vector.broadcast %gt3A_228 : f32 to vector<256x2048xf32>
      %gt3A_230 = arith.cmpf ogt, %div3A, %gt3A_229 : vector<256x2048xf32>
      %and3A_231 = arith.andi %gt3A_115, %gt3A_230 : vector<256x2048xi1>
      %and3A_232 = arith.andi %and3A_231, %and3A_227 : vector<256x2048xi1>
      %convert_element_type3A = arith.extui %and3A_232 : vector<256x2048xi1> to vector<256x2048xi32>
      %reduce_sum3A_233 = arith.constant dense<0> : vector<2048xi32>
      %reduce_sum3A_234 = vector.multi_reduction <add>, %convert_element_type3A, %reduce_sum3A_233 [0] : vector<256x2048xi32> to vector<2048xi32>
      %broadcast_in_dim3A_235 = vector.shape_cast %reduce_sum3A_234 : vector<2048xi32> to vector<1x2048xi32>
      %add3A_236 = arith.addi %scan3A_53, %broadcast_in_dim3A_235 : vector<1x2048xi32>
      scf.yield %add3A_236 : vector<1x2048xi32>
    }
    %scan3A_27 = arith.constant 8 : i32
    %jit3A = arith.constant 2 : i32
    %eq3A = arith.constant 0 : i32
    %eq3A_28 = arith.cmpi eq, %jit3A, %eq3A : i32
    %jit3A_29 = arith.constant 1 : i32
    %select_n3A = arith.select %eq3A_28, %jit3A_29, %jit3A : i32
    %rem3A = vector.broadcast %select_n3A : i32 to vector<1x2048xi32>
    %rem3A_30 = arith.remsi %scan3A_26, %rem3A : vector<1x2048xi32>
    %ne3A = arith.constant 0 : i32
    %ne3A_31 = vector.broadcast %ne3A : i32 to vector<1x2048xi32>
    %ne3A_32 = arith.cmpi ne, %rem3A_30, %ne3A_31 : vector<1x2048xi32>
    %lt3A = arith.constant 0 : i32
    %lt3A_33 = vector.broadcast %lt3A : i32 to vector<1x2048xi32>
    %lt3A_34 = arith.cmpi slt, %rem3A_30, %lt3A_33 : vector<1x2048xi32>
    %lt3A_35 = arith.constant 0 : i32
    %lt3A_36 = arith.cmpi slt, %select_n3A, %lt3A_35 : i32
    %ne3A_37 = vector.broadcast %lt3A_36 : i1 to vector<1x2048xi1>
    %ne3A_38 = vector.broadcast %ne3A_37 : vector<1x2048xi1> to vector<1x2048xi1>
    %ne3A_39 = arith.xori %lt3A_34, %ne3A_38 : vector<1x2048xi1>
    %and3A = arith.andi %ne3A_39, %ne3A_32 : vector<1x2048xi1>
    %add3A = vector.broadcast %select_n3A : i32 to vector<1x2048xi32>
    %add3A_40 = arith.addi %rem3A_30, %add3A : vector<1x2048xi32>
    %select_n3A_41 = arith.select %and3A, %add3A_40, %rem3A_30 : vector<1x2048xi1>, vector<1x2048xi32>
    %ne3A_42 = arith.constant 0 : i32
    %ne3A_43 = vector.broadcast %ne3A_42 : i32 to vector<1x2048xi32>
    %ne3A_44 = arith.cmpi ne, %select_n3A_41, %ne3A_43 : vector<1x2048xi32>
    %jit3A_45 = arith.constant 0.000000e+00 : f32
    %broadcast_in_dim3A_46 = vector.broadcast %jit3A_45 : f32 to vector<1x2048xf32>
    %select_n3A_47 = arith.select %ne3A_44, %get3A_10, %broadcast_in_dim3A_46 : vector<1x2048xi1>, vector<1x2048xf32>
    %reduce_sum3A = arith.constant dense<0.000000e+00> : vector<1xf32>
    %reduce_sum3A_48 = vector.multi_reduction <add>, %select_n3A_47, %reduce_sum3A [1] : vector<1x2048xf32> to vector<1xf32>
    %broadcast_in_dim3A_49 = vector.shape_cast %reduce_sum3A_48 : vector<1xf32> to vector<1x1xf32>
    %sqrt3A = math.sqrt %broadcast_in_dim3A_49 : vector<1x1xf32>
    %swap3A = arith.constant 0 : index
    %swap3A_50 = arith.constant 0 : index
    %swap3A_51 = vector.load %arg4[%swap3A, %swap3A_50] : memref<1x1xf32, #tpu.memory_space<vmem>>, vector<1x1xf32>
    tpu.vector_store %arg4[%swap3A, %swap3A_50], %sqrt3A {strides = array<i32>} : memref<1x1xf32, #tpu.memory_space<vmem>>, vector<1x1xf32>,
    return
  }
}

</mosaic_0001>

<sc_bundles>
// kernel: kernel.5.cloned.1.call-start
scs
__scs_entry_jumppad:
0x0: {  	(pc) =	sbr.rel $0x88, $3  }
0x1: {  	(tag) =	ssettag $0x0;
	lr =	simm.s32 $0x1  }
0x2: {  	[smem:$0x3F9C] =	sst lr;
	_ =	strace $0xD0000000  }
0x3: {  	_ = 	snop  }
0x4: {  	_ = 	snop  }
0x5: {  	_ = 	snop  }
0x6: {  	_ = 	snop  }
0x7: {  	_ = 	snop  }
__scs_overlays_trampoline_lowered:
0x8: {  	[smem:$0x3FAB] =	sst s0  }
0x9: {  	[smem:$0x3FAC] =	sst s1  }
0xa: {  	[smem:$0x3FAD] =	sst s2  }
0xb: {  	[smem:$0x3FAE] =	sst s3  }
0xc: {  	[smem:$0x3FAF] =	sst s4  }
0xd: {  	[smem:$0x3FB0] =	sst s5  }
0xe: {  	[smem:$0x3FB1] =	sst s6  }
0xf: {  	[smem:$0x3FB2] =	sst s7  }
0x10: {  	[smem:$0x3FB3] =	sst s8  }
0x11: {  	[smem:$0x3FB4] =	sst s9;
	s0 =	simm.s32 @!p0 $0x0  }
0x12: {  	s1 =	sld [smem:$0x3F9A];
	s0 =	simm.s32 @p0 $0x1  }
0x13: {  	[smem:$0x3FB5] =	sst s0;
	s0 =	simm.s32 @!p1 $0x0  }
0x14: {  	s2 =	sld [smem:$0x3F99];
	s0 =	simm.s32 @p1 $0x1  }
0x15: {  	[smem:$0x3FB6] =	sst s0;
	s0 =	simm.s32 @!p2 $0x0  }
0x16: {  	s3 =	sld [smem:$0x3FDB];
	s0 =	simm.s32 @p2 $0x1  }
0x17: {  	s4 =	simm.s32 $0x1BF5;
	[smem:$0x3FB8] =	sst s0  }
0x18: {  	s0 =	sld [smem:$0x3F9B];
	_ =	swait.ge [sflag:s4], $0x0  }
0x19: {  	s7 =	sld [smem:$0x3F9C]  }
0x1a: {  	s8 =	sadd.s32 $0xFFFFE003, lr  }
0x1b: {  	s9 =	sadd.s32 $0xFFFFFEF7, lr;
	s5 =	simm.s32 $0xFFFFFFFF;
	p2 =	slt.u32 s8, $0xFFFFF086  }
0x1c: {  	p1 =	slt.u32 s9, $0xF7A;
	s5 =	simm.s32 @!p2 $0x0  }
0x1d: {  	s5 =	simm.s32 @p1 $0x1;
	p0 =	seq.s32 s7, s2  }
0x1e: {  	s7 =	smul.u32 @!p0 $0xF7A, s2;
	p2 =	seq.s32 @!p0 s5, $0x0  }
0x1f: {  	s9 =	smul.u32 $0xF7A, s1;
	s8 =	simm.s32 @!p0 $0x1BF5;
	p2 =	por !p2, p0  }
0x20: {  	[sflag:s8] =	ssyncset.s32 @!p0 $0xFFFFF086;
	s6 =	sadd.s32 @!p0 s3, s7;
	s7 =	simm.s32 @!p0 $0x108  }
0x21: {  	s3 =	sadd.s32 s3, s9;
	s6 =	sadd.s32 @!p0 $0x88, s6;
	s7 =	simm.s32 @p2 $0x1082  }
0x22: {  	[simem:s7], [sflag:s8] =	dma.local @!p0 [hbm:s6], $0xF7A  }
0x23: {  	s9 =	sor.u32 $0xD0000000, s2;
	s6 =	simm.s32 $0x108;
	_ =	swait.ge @!p0 [sflag:s8], $0x0  }
0x24: {  	s3 =	sadd.s32 $0x88, s3;
	s6 =	simm.s32 @!p1 $0x1082;
	[sflag:s4] =	ssyncset.s32 $0xFFFFF086  }
0x25: {  	[simem:s6], [sflag:s4] =	dma.local [hbm:s3], $0xF7A  }
0x26: {  	[smem:$0x3F9C] =	sst s1;
	(tag) =	ssettag s2;
	_ =	strace s9  }
0x27: {  	s1 =	sld [smem:$0x3FAC]  }
0x28: {  	s2 =	sld [smem:$0x3FAD]  }
0x29: {  	s4 =	sld [smem:$0x3FAF]  }
0x2a: {  	p0 =	seq.s32 s5, $0x0;
	s5 =	sld [smem:$0x3FB0]  }
0x2b: {  	s6 =	sld [smem:$0x3FB1]  }
0x2c: {  	s7 =	sld [smem:$0x3FB2]  }
0x2d: {  	s3 =	simm.s32 $0x108;
	s8 =	sld [smem:$0x3FB3]  }
0x2e: {  	s3 =	simm.s32 @!p0 $0x1082;
	s9 =	sld [smem:$0x3FB4]  }
0x2f: {  	lr =	sadd.s32 s0, s3;
	s0 =	sld [smem:$0x3FAB]  }
0x30: {  	s3 =	sld [smem:$0x3FAE]  }
0x31: {  	[smem:$0x3FB7] =	sst s10  }
0x32: {  	s10 =	sld [smem:$0x3FB5];
	_ =	sdelay $0x3  }
0x33: {  	p0 =	seq.s32 s10, $0x1;
	s10 =	sld [smem:$0x3FB7];
	_ =	sdelay $0x3  }
0x34: {  	[smem:$0x3FB7] =	sst s10  }
0x35: {  	s10 =	sld [smem:$0x3FB6];
	_ =	sdelay $0x3  }
0x36: {  	p1 =	seq.s32 s10, $0x1;
	s10 =	sld [smem:$0x3FB7];
	_ =	sdelay $0x3  }
0x37: {  	[smem:$0x3FB7] =	sst s10  }
0x38: {  	s10 =	sld [smem:$0x3FB8]  }
0x39: {  	_ = 	snop;
	(pc) =	sbr.ind lr, $3  }
0x3a: {  	_ = 	snop  }
0x3b: {  	_ = 	snop  }
0x3c: {  	p2 =	seq.s32 s10, $0x1;
	s10 =	sld [smem:$0x3FB7]  }
0x3d: {  	_ =	shalt  }
0x3e: {  	_ =	shalt  }
0x3f: {  	_ =	shalt  }
0x40: {  	_ =	shalt  }
0x41: {  	_ =	shalt  }
0x42: {  	_ =	shalt  }
0x43: {  	_ =	shalt  }
0x44: {  	_ =	shalt  }
0x45: {  	_ =	shalt  }
0x46: {  	_ =	shalt  }
0x47: {  	_ =	shalt  }
0x48: {  	_ =	shalt  }
0x49: {  	_ =	shalt  }
0x4a: {  	_ =	shalt  }
0x4b: {  	_ =	shalt  }
0x4c: {  	_ =	shalt  }
0x4d: {  	_ =	shalt  }
0x4e: {  	_ =	shalt  }
0x4f: {  	_ =	shalt  }
0x50: {  	_ =	shalt  }
0x51: {  	_ =	shalt  }
0x52: {  	_ =	shalt  }
0x53: {  	_ =	shalt  }
0x54: {  	_ =	shalt  }
0x55: {  	_ =	shalt  }
0x56: {  	_ =	shalt  }
0x57: {  	_ =	shalt  }
0x58: {  	_ =	shalt  }
0x59: {  	_ =	shalt  }
0x5a: {  	_ =	shalt  }
0x5b: {  	_ =	shalt  }
0x5c: {  	_ =	shalt  }
0x5d: {  	_ =	shalt  }
0x5e: {  	_ =	shalt  }
0x5f: {  	_ =	shalt  }
0x60: {  	_ =	shalt  }
0x61: {  	_ =	shalt  }
0x62: {  	_ =	shalt  }
0x63: {  	_ =	shalt  }
0x64: {  	_ =	shalt  }
0x65: {  	_ =	shalt  }
0x66: {  	_ =	shalt  }
0x67: {  	_ =	shalt  }
0x68: {  	_ =	shalt  }
0x69: {  	_ =	shalt  }
0x6a: {  	_ =	shalt  }
0x6b: {  	_ =	shalt  }
0x6c: {  	_ =	shalt  }
0x6d: {  	_ =	shalt  }
0x6e: {  	_ =	shalt  }
0x6f: {  	_ =	shalt  }
0x70: {  	_ =	shalt  }
0x71: {  	_ =	shalt  }
0x72: {  	_ =	shalt  }
0x73: {  	_ =	shalt  }
0x74: {  	_ =	shalt  }
0x75: {  	_ =	shalt  }
0x76: {  	_ =	shalt  }
0x77: {  	_ =	shalt  }
0x78: {  	_ =	shalt  }
0x79: {  	_ =	shalt  }
0x7a: {  	_ =	shalt  }
0x7b: {  	_ =	shalt  }
0x7c: {  	_ =	shalt  }
0x7d: {  	_ =	shalt  }
0x7e: {  	_ =	shalt  }
0x7f: {  	_ =	shalt  }
0x80: {  	_ =	shalt  }
0x81: {  	_ =	shalt  }
0x82: {  	_ =	shalt  }
0x83: {  	_ =	shalt  }
0x84: {  	_ =	shalt  }
0x85: {  	_ =	shalt  }
0x86: {  	_ =	shalt  }
0x87: {  	_ =	shalt  }
.Lfunc_end0:
.L_simem_size_0:
called_computation_lowered:
.L_overlay_start_0:
0x88: {  	s2 =	sld [smem:$0x3FD9]  }
0x89: {  	s3 =	sld [smem:$0x3FFE];
	_ =	sdelay $0x1  }
0x8a: {  	s1 =	srdreg.scid  }
0x8b: {  	s0 =	sand.u32 $0x1, s1  }
0x8c: {  	s16 =	sshll.u32 s0, $0xA;
	s2 =	sadd.s32 s3, s2  }
0x8d: {  	s2 =	sadd.s32 s2, s16  }
0x8e: {  	[smem:$0x3FC3] =	sst s2  }
0x8f: {  	_ = 	snop  }
0x90: {  	(tm) =	ssettm $0x1  }
0x91: {  	s17 =	sld [smem:$0x3FFB];
	_ =	sdelay $0x3  }
0x92: {  	_ =	strace s17  }
0x93: {  	s2 =	sld [smem:$0x3FFC];
	_ =	sdelay $0x3  }
0x94: {  	_ =	strace s2  }
0x95: {  	s2 =	sld [smem:$0x3FFD];
	_ =	sdelay $0x3  }
0x96: {  	_ =	strace s2  }
0x97: {  	_ =	strace $0x8FFFFFFF  }
0x98: {  	s18 =	sld [smem:$0x3FDB];
	_ =	sdelay $0x1  }
0x99: {  	s19 =	simm.s32 $_scs_section_size  }
0x9a: {  	s4 =	simm.s32 $_size__tile_overlayer_lowered;
	s5 =	simm.s32 $_tile_overlayer_lowered  }
0x9b: {  	s22 =	simm.s32 $0x1BFF;
	s21 =	sshll.u32 s5, $0x1;
	s2 =	sadd.s32 s19, s18  }
0x9c: {  	s6 =	simm.s32 $0x0;
	s20 =	sshll.u32 s4, $0x1;
	s4 =	sadd.s32 s21, s2  }
0x9d: {  	[timem:s6], [sflag:s22] =	dma.local [hbm:s4], s20  }
0x9e: {  	_ =	swait.ge [sflag:s22], s20  }
0x9f: {  	s3 =	ssub.s32 $0x0, s20;
	[sflag:s22] =	ssyncset.done $0x0  }
0xa0: {  	[sflag:s22] =	ssyncadd.s32 s3;
	_ =	sdelay $0x1  }
0xa1: {  	s23 =	simm.s32 $0x1B8B  }
0xa2: {  	_ =	swait.ge [sflag:s23], $0x1  }
0xa3: {  	[sflag:s23] =	ssyncset.done $0x0  }
0xa4: {  	s25 =	simm.s32 $0x1B8E;
	s24 =	sld [smem:$0x3FFE];
	[sflag:s23] =	ssyncadd.s32 $0xFFFFFFFF  }
0xa5: {  	s26 =	simm.s32 $execute0_lowered;
	[smem:$0x3FD2] =	sst s25  }
0xa6: {  	s4 =	sshll.u32 s26, $0x1;
	_ =	strace $0x80000046;
	[dreg:$0x1] =	wrdreg $0xFFFFFFFF  }
0xa7: {  	s28 =	simm.s32 $_size_execute0_lowered;
	s2 =	sadd.s32 s2, s4;
	[dreg:$0x0] =	wrdreg $0x0  }
0xa8: {  	s4 =	sshll.u32 s28, $0x1;
	[dreg:$0x2] =	wrdreg s2  }
0xa9: {  	[dreg:$0x3] =	wrdreg s4  }
0xaa: {  	[dreg:$0x4] =	wrdreg $0xC0  }
0xab: {  	_ =	task [dreg:s6], $0x5FFFF  }
0xac: {  	[dreg:$0x1] =	wrdreg $0xFFFFFFFF  }
0xad: {  	[dreg:$0x0] =	wrdreg $0x60  }
0xae: {  	[dreg:$0x2] =	wrdreg s24  }
0xaf: {  	[dreg:$0x3] =	wrdreg $0x9  }
0xb0: {  	_ =	task.clear_ibuf [dreg:s6], $0x4FFFF;
	_ =	strace $0x90000046  }
0xb1: {  	s29 =	simm.s32 $0x9;
	_ =	strace $0x80000048  }
0xb2: {  	_ =	swait.ge [sflag:s29], $0x1  }
0xb3: {  	[sflag:s29] =	ssyncadd.s32 $0xFFFFFFFF  }
0xb4: {  	_ =	strace $0x90000048  }
0xb5: {  	_ =	sfence  }
0xb6: {  	s30 =	sld [smem:$0x0];
	_ =	sdelay $0x2  }
0xb7: {  	s31 =	sshll.u32 s1, $0xD;
	s1 =	sshrl.u32 s1, $0x2  }
0xb8: {  	s3 =	sand.u32 $0x4000, s31;
	s1 =	sadd.s32 s1, s30  }
0xb9: {  	s0 =	sor.u32 s3, s0;
	s1 =	sshll.u32 s1, $0x11  }
0xba: {  	s0 =	sor.u32 s1, s0  }
0xbb: {  	s0 =	sadd.s32 $0x8F2B, s0  }
0xbc: {  	[sflag:s0] =	ssyncadd.remote.s32 $0x1  }
0xbd: {  	_ =	sfence.sel $0xFFFF  }
0xbe: {  	[dreg:$0x0] =	wrdreg $0xFFFFFFFF;
	(pc) =	sbr.abs _section_cstart, $3  }
0xbf: {  	[dreg:$0x1] =	wrdreg $0xFFFFFFFF  }
0xc0: {  	_ =	task.clear_ibuf [dreg:s6], $0x2FFFF;
	_ =	strace $0x9FFFFFFF  }
0xc1: {  	(tm) =	ssettm $0x7FFFFFFF  }
tec
execute0_lowered:
.L_overlay_start_1:
0x0: {  	(tag) =	ssettag $0x1  }
0x1: {  	s1 =	srdreg.scid;
	s0 =	stileid.u32  }
0x2: {  	s11 =	sand.u32 $0x1, s1;
	s29 =	sshll.u32 s0, $0x1  }
0x3: {  	s12 =	rddreg [dreg:$0x0];
	s13 =	sor.u32 s11, s29  }
0x4: {  	s2 =	simm.s32 $0x0;
	s1 =	rddreg [dreg:$0x1];
	s3 =	sshll.u32 s13, $0x5  }
0x5: {  	[smem:$0x7FF] =	sst s2;
	s3 =	sadd.s32 s3, s12  }
0x6: {  	_ =	strace $0x80000047;
	s4 =	sadd.s32 $0xE00, s3;
	s3 =	simm.s32 $0x2  }
0x7: {  	[tilespmem:s2], [sflag:$0x2] =	stream.linear.gather [hbm4b:s4+s2], $0x100, $0x38;
	[tilespmem:$0x6100] =	vst v63  }
0x8: {  	_ =	swait.ge [sflag:s3], $0x100  }
0x9: {  	s6 =	simm.s32 $0x60;
	s7 =	simm.s32 $0x100;
	[sflag:s3] =	ssyncset.done $0x0  }
0xa: {  	s8 =	simm.s32 $0x80;
	s5 =	sadd.s32 $0x1200, s12;
	[sflag:s3] =	ssyncadd.s32 $0xFFFFFF00  }
0xb: {  	[tilespmem:s7], [sflag:$0x1] =	stream.indirect.gather [hbm4b:s5+s6], $0x80, s2, s6, $0xb8;
	[tilespmem:$0x6100] =	vst v63  }
0xc: {  	s9 =	simm.s32 $0x3100;
	s10 =	simm.s32 $0x1;
	s11 =	ssub.s32 $0x2, s11  }
0xd: {  	[tilespmem:s9], [sflag:$0x1] =	stream.indirect.gather [hbm4b:s5+s6], $0x80, s8, s6, $0xb8;
	[tilespmem:$0x6100] =	vst v63  }
0xe: {  	s14 =	sshrl.u32 s11, $0x1;
	_ =	swait.ge [sflag:s10], $0x3000  }
0xf: {  	s30 =	ssub.s32 s11, s14;
	[sflag:s10] =	ssyncset.done $0x0  }
0x10: {  	s13 =	smul.u32 $0xC00, s13;
	s31 =	smax.u32 s30, $0x1;
	[sflag:s10] =	ssyncadd.s32 $0xFFFFD000  }
0x11: {  	p0 =	sne.s32 s31, $0x1;
	_ =	swait.ge [sflag:s10], $0x3000  }
.Ltmp0:
0x12: {  	s12 =	sadd.s32 s13, s12;
	[sflag:s10] =	ssyncset.done $0x0;
	(pc) =	sbr.rel @!p0 .LBB2_2-.Ltmp0, $4  }
0x13: {  	s11 =	sadd.s32 $0x9200, s12;
	[sflag:s10] =	ssyncadd.s32 $0xFFFFD000  }
0x14: {  	[hbm4b:s11+s2] =	stream.linear.scatter [tilespmem:s7], [sflag:$0x2], $0x6000, $0x38;
	[tilespmem:$0x6100] =	vst v63  }
0x15: {  	_ =	swait.ge [sflag:s3], $0x6000  }
0x16: {  	s12 =	sadd.s32 $0xFFFFFFFF, s31;
	[sflag:s3] =	ssyncset.done $0x0  }
.LBB2_1:
0x17: {  	p0 =	sne.s32 s12, $0x1;
	s12 =	sadd.s32 $0xFFFFFFFF, s12;
	[sflag:s3] =	ssyncadd.s32 $0xFFFFA000  }
0x18: {  	[tilespmem:s2], [sflag:$0x2] =	stream.linear.gather [hbm4b:s4+s2], $0x100, $0x38;
	[tilespmem:$0x6100] =	vst v63  }
0x19: {  	_ =	swait.ge [sflag:s3], $0x100  }
0x1a: {  	[sflag:s3] =	ssyncset.done $0x0  }
0x1b: {  	[sflag:s3] =	ssyncadd.s32 $0xFFFFFF00  }
0x1c: {  	[tilespmem:s7], [sflag:$0x1] =	stream.indirect.gather [hbm4b:s5+s6], $0x80, s2, s6, $0xb8;
	[tilespmem:$0x6100] =	vst v63  }
0x1d: {  	_ = 	snop  }
0x1e: {  	[tilespmem:s9], [sflag:$0x1] =	stream.indirect.gather [hbm4b:s5+s6], $0x80, s8, s6, $0xb8;
	[tilespmem:$0x6100] =	vst v63  }
0x1f: {  	_ =	swait.ge [sflag:s10], $0x3000  }
0x20: {  	[sflag:s10] =	ssyncset.done $0x0  }
0x21: {  	[sflag:s10] =	ssyncadd.s32 $0xFFFFD000  }
0x22: {  	_ =	swait.ge [sflag:s10], $0x3000  }
.Ltmp1:
0x23: {  	[sflag:s10] =	ssyncset.done $0x0;
	(pc) =	sbr.rel @p0 .LBB2_1-.Ltmp1, $4  }
0x24: {  	[sflag:s10] =	ssyncadd.s32 $0xFFFFD000  }
0x25: {  	[hbm4b:s11+s2] =	stream.linear.scatter [tilespmem:s7], [sflag:$0x2], $0x6000, $0x38;
	[tilespmem:$0x6100] =	vst v63  }
0x26: {  	_ =	swait.ge [sflag:s3], $0x6000  }
0x27: {  	[sflag:s3] =	ssyncset.done $0x0  }
.LBB2_2:
0x28: {  	[sflag:s3] =	ssyncadd.s32 $0xFFFFA000  }
0x29: {  	_ =	sfence.sel $0x180000  }
0x2a: {  	[bflag:$0x0] =	sbarrier.arrive $0xFFFF  }
0x2b: {  	p0 =	sne.s32 s0, $0x0;
	_ =	strace $0x90000047  }
0x2c: {  	s0 =	sadd.s32 @!p0 $0x100000, s1;
	[bflag:$0x2] =	sbarrier.arrive $0xFFFF  }
0x2d: {  	[sflag:s0] =	ssyncadd.tile.s32 @!p0 $0x1;
	_ =	shalt  }
.Lfunc_end2:
_tile_overlayer_lowered:
.L_overlay_start_2:
0x2e: {  	(tag) =	ssettag $0x2  }
0x2f: {  	s0 =	rddreg [dreg:$0x0];
	s2 =	stileid.u32  }
0x30: {  	s1 =	rddreg [dreg:$0x1];
	p0 =	sne.s32 s2, $0x0  }
0x31: {  	s3 =	rddreg [dreg:$0x2];
	[bflag:$0x3] =	sbarrier.arrive $0xFFFF;
	s2 =	simm.s32 @!p0 $0x1C02  }
0x32: {  	[timem:s3], [sflag:s2] =	dma.local @!p0 [hbm:s0], s1  }
0x33: {  	s0 =	simm.s32 @!p0 $0x2  }
0x34: {  	_ =	swait.ge @!p0 [sflag:s0], s1  }
0x35: {  	s1 =	ssub.s32 @!p0 $0x0, s1;
	[sflag:s0] =	ssyncset.done @!p0 $0x0  }
0x36: {  	[sflag:s0] =	ssyncadd.s32 @!p0 s1  }
0x37: {  	[bflag:$0x3] =	sbarrier.arrive $0xFFFF  }
0x38: {  	_ =	shalt  }

</sc_bundles>
